<compile_context>
chip_gen: v7x
topology: tpu7x:2x2x1
jax: 0.10.2.dev20260603
libtpu: 0.0.44.dev20260713+nightly
codegen_flags: <defaults>
</compile_context>

<pallas_src>
import functools

import numpy as np

import jax
import jax.numpy as jnp
from jax import lax
from jax.experimental import pallas as pl
from jax.experimental.pallas import tpu as pltpu
from jax.experimental.pallas import tpu_sc as plsc

_SIGMA = 0.5
_THRESH = 0.05
_N = 5000
_NP = 5120
_TILE = 1024
_NB = _NP // _TILE
_RT = 1024
_ROWS = 64
_COLS = 80
_WROWS = 2


def _rank_body(s_col_ref, s_row_ref, b_ref, rank_ref, vals_ref):
    i = pl.program_id(0)
    k_i = 2 * jax.lax.bitcast_convert_type(s_col_ref[...], jnp.int32)
    k_j = 2 * jax.lax.bitcast_convert_type(s_row_ref[...], jnp.int32)
    gi = i * _RT + lax.broadcasted_iota(jnp.int32, (_RT, _NP), 0)
    gj = lax.broadcasted_iota(jnp.int32, (_RT, _NP), 1)
    before = (k_j + (gj < gi).astype(jnp.int32)) > k_i
    rank_ref[...] = jnp.sum(before.astype(jnp.int32), axis=1, keepdims=True)
    vals_ref[...] = jnp.concatenate(
        [b_ref[...], s_col_ref[...], jnp.zeros((_RT, 3), jnp.float32)],
        axis=1)


def _compute_rank(s_pad, b_pad):
    return pl.pallas_call(
        _rank_body,
        grid=(_NP // _RT,),
        in_specs=[
            pl.BlockSpec((_RT, 1), lambda i: (i, 0)),
            pl.BlockSpec((1, _NP), lambda i: (0, 0)),
            pl.BlockSpec((_RT, 4), lambda i: (i, 0)),
        ],
        out_specs=[
            pl.BlockSpec((_RT, 1), lambda i: (i, 0)),
            pl.BlockSpec((_RT, 8), lambda i: (i, 0)),
        ],
        out_shape=[
            jax.ShapeDtypeStruct((_NP, 1), jnp.int32),
            jax.ShapeDtypeStruct((_NP, 8), jnp.float32),
        ],
        compiler_params=pltpu.CompilerParams(
            allow_input_fusion=[True, True, True]),
    )(s_pad.reshape(_NP, 1), s_pad.reshape(1, _NP), b_pad)


def _sc_permute(rank2d, vals3d):
    mesh = plsc.VectorSubcoreMesh(core_axis_name="c", subcore_axis_name="s")

    @functools.partial(
        pl.kernel,
        mesh=mesh,
        out_type=jax.ShapeDtypeStruct((_NP, 8), jnp.float32),
        scratch_types=[
            pltpu.VMEM((_WROWS, _COLS), jnp.int32),
            pltpu.VMEM((_WROWS, _COLS, 8), jnp.float32),
            pltpu.SemaphoreType.DMA,
        ],
        compiler_params=pltpu.CompilerParams(use_tc_tiling_on_sc=False),
    )
    def permute(rank_h, vals_h, out_h, idx_v, val_v, sem):
        w = lax.axis_index("s") * 2 + lax.axis_index("c")
        base = w * _WROWS
        stg = [pltpu.async_copy(rank_h.at[pl.ds(base, _WROWS)], idx_v, sem),
               pltpu.async_copy(vals_h.at[pl.ds(base, _WROWS)], val_v, sem)]
        for cp in stg:
            cp.wait()
        cps = [pltpu.async_copy(val_v.at[r], out_h.at[idx_v.at[r]], sem)
               for r in range(_WROWS)]
        for cp in cps:
            cp.wait()

    return permute(rank2d, vals3d)


def _iou_tile(x1r, y1r, x2r, y2r, x1c, y1c, x2c, y2c):
    ix1 = jnp.maximum(x1r, x1c)
    iy1 = jnp.maximum(y1r, y1c)
    ix2 = jnp.minimum(x2r, x2c)
    iy2 = jnp.minimum(y2r, y2c)
    inter = jnp.maximum(ix2 - ix1, 0.0) * jnp.maximum(iy2 - iy1, 0.0)
    ar = (x2r - x1r) * (y2r - y1r)
    ac = (x2c - x1c) * (y2c - y1c)
    union = ar + ac - inter
    return inter * pl.reciprocal(union, approx=True)


def _tri_mask(i, j):
    rr = i * _TILE + lax.broadcasted_iota(jnp.int32, (_TILE, _TILE), 0)
    cc = j * _TILE + lax.broadcasted_iota(jnp.int32, (_TILE, _TILE), 1)
    return rr < cc


_TRI = [(i, j) for j in range(_NB) for i in range(j + 1)]
_I_ARR = np.array([t[0] for t in _TRI], np.int32)
_J_ARR = np.array([t[1] for t in _TRI], np.int32)


def _fused_body(i_ref, j_ref, rows, cols, out_ref, comp_row, comp_col):
    t = pl.program_id(0)
    i = i_ref[t]
    j = j_ref[t]

    def iou_tile():
        rb = rows[...]
        cb = cols[...]
        return _iou_tile(rb[:, 0:1], rb[:, 1:2], rb[:, 2:3], rb[:, 3:4],
                         cb[0:1, :], cb[1:2, :], cb[2:3, :], cb[3:4, :])

    @pl.when(t == 0)
    def _init_comp():
        comp_row[...] = jnp.zeros_like(comp_row[...])

    @pl.when(i == 0)
    def _init_m():
        out_ref[...] = jnp.zeros_like(out_ref[...])

    @pl.when(i < j)
    def _off_diag():
        iou = iou_tile()
        comp_row[j] = jnp.maximum(comp_row[j],
                                  jnp.max(iou, axis=0, keepdims=True))
        cr = comp_col[i]
        val = iou * iou - cr * cr
        out_ref[...] = jnp.maximum(out_ref[...],
                                   jnp.max(val, axis=0, keepdims=True))

    @pl.when(i == j)
    def _diag():
        iou = iou_tile()
        rr = lax.broadcasted_iota(jnp.int32, (_TILE, _TILE), 0)
        cc = lax.broadcasted_iota(jnp.int32, (_TILE, _TILE), 1)
        mask = rr < cc
        iou_m = jnp.where(mask, iou, 0.0)
        comp_new = jnp.maximum(comp_row[j],
                               jnp.max(iou_m, axis=0, keepdims=True))
        comp_col[j] = jnp.transpose(comp_new, (1, 0))
        cr = comp_col[j]
        val = jnp.where(mask, iou * iou - cr * cr, 0.0)
        m = jnp.maximum(out_ref[...], jnp.max(val, axis=0, keepdims=True))
        ns = cols[4:5, :] * jnp.exp(m * (-1.0 / _SIGMA))
        out_ref[...] = jnp.where(ns >= _THRESH, ns, 0.0)


def _fused_sweep(sorted_vals, sorted_vals_t):
    row = pl.BlockSpec((_TILE, 8), lambda t, i_ref, j_ref: (i_ref[t], 0))
    col = pl.BlockSpec((8, _TILE), lambda t, i_ref, j_ref: (0, j_ref[t]))
    grid_spec = pltpu.PrefetchScalarGridSpec(
        num_scalar_prefetch=2,
        grid=(len(_TRI),),
        in_specs=[row, col],
        out_specs=pl.BlockSpec((1, _TILE), lambda t, i_ref, j_ref:
                               (0, j_ref[t])),
        scratch_shapes=[
            pltpu.VMEM((_NB, 1, _TILE), jnp.float32),
            pltpu.VMEM((_NB, _TILE, 1), jnp.float32),
        ],
    )
    return pl.pallas_call(
        _fused_body,
        grid_spec=grid_spec,
        out_shape=jax.ShapeDtypeStruct((1, _NP), jnp.float32),
        compiler_params=pltpu.CompilerParams(
            allow_input_fusion=[False, False, True, True]),
    )(jnp.asarray(_I_ARR), jnp.asarray(_J_ARR), sorted_vals, sorted_vals_t)


def kernel(boxes, scores):
    s_pad = jnp.concatenate(
        [scores, jnp.zeros((_NP - _N,), jnp.float32)])
    b_pad = jnp.concatenate(
        [boxes, jnp.zeros((_NP - _N, 4), jnp.float32)], axis=0)

    rank, vals = _compute_rank(s_pad, b_pad)

    sorted_vals = _sc_permute(
        rank.reshape(_ROWS, _COLS), vals.reshape(_ROWS, _COLS, 8))

    out = _fused_sweep(sorted_vals, sorted_vals.T)
    return out.reshape(_NP)[:_N]

# --- scband reference (transcript-rebuilt; emitter-appended) ---
"""Pipeline reference for scband-token-nmsw-17480516895338 (READ-ONLY COPY).

The authoritative reference and input builder live on the scoring server;
editing this copy changes nothing except your own understanding.
"""

import jax, jax.numpy as jnp
import numpy as np

SIGMA = 0.5
SCORE_THRESHOLD = 0.05


def setup_inputs(seed: int = 0) -> dict:
    key = jax.random.key(seed)
    k1, k2 = jax.random.split(key)
    raw = jax.random.uniform(k1, (5000, 4), dtype=jnp.float32)
    xy = raw[:, :2] * 512.0
    wh = raw[:, 2:] * 64.0 + 1.0
    boxes = jnp.concatenate([xy, xy + wh], axis=-1)
    scores = jax.random.uniform(k2, (5000,), dtype=jnp.float32)
    return {"boxes": boxes, "scores": scores}


def _pairwise_iou(b):
    # b: [N, 4] in (x1, y1, x2, y2)
    x1 = jnp.maximum(b[:, None, 0], b[None, :, 0])
    y1 = jnp.maximum(b[:, None, 1], b[None, :, 1])
    x2 = jnp.minimum(b[:, None, 2], b[None, :, 2])
    y2 = jnp.minimum(b[:, None, 3], b[None, :, 3])
    inter = jnp.clip(x2 - x1, 0.0) * jnp.clip(y2 - y1, 0.0)
    area = (b[:, 2] - b[:, 0]) * (b[:, 3] - b[:, 1])
    union = area[:, None] + area[None, :] - inter
    return inter / jnp.maximum(union, 1e-9)


def reference(boxes, scores):
    # TokenNMSW: weighted (matrix-style) NMS with gaussian decay kernel.
    # Sort tokens/boxes by score descending (indices are integer constants).
    order = jnp.argsort(-scores)
    b = jnp.take(boxes, order, axis=0)
    s = jnp.take(scores, order, axis=0)
    n = s.shape[0]
    iou = _pairwise_iou(b)
    # Upper-triangular mask: row i (higher score) suppresses column j (i < j).
    upper = jnp.triu(jnp.ones((n, n), dtype=iou.dtype), k=1)
    iou_u = iou * upper
    # Compensation: max IoU each suppressor i has with any higher-scored box.
    compensate = jnp.max(iou_u, axis=0)  # [n]
    decay_matrix = jnp.exp(-(iou_u ** 2 - compensate[:, None] ** 2) / SIGMA)
    decay = jnp.min(decay_matrix, axis=0)  # [n], per suppressed box j
    new_scores = s * decay
    new_scores = jnp.where(new_scores >= SCORE_THRESHOLD, new_scores, 0.0)
    return new_scores

if __name__ == "__main__":
    import jax
    _d = setup_inputs()
    print(jax.jit(kernel)(*tuple(_d.values())))

</pallas_src>

<mosaic_0001>
#map = affine_map<(d0, d1) -> (0, 0)>
#map1 = affine_map<(d0, d1) -> (0, 0, 0)>
module attributes {stable_mosaic.version = 14 : i64} {
  func.func @permute(%arg0: i32, %arg1: i32, %arg2: memref<64x80xi32, #tpu.memory_space<hbm>>, %arg3: memref<64x80x8xf32, #tpu.memory_space<hbm>>, %arg4: memref<5120x8xf32, #tpu.memory_space<hbm>>, %arg5: memref<2x80xi32, #tpu.memory_space<vmem>>, %arg6: memref<2x80x8xf32, #tpu.memory_space<vmem>>, %arg7: memref<!tpu.dma_semaphore, #tpu.memory_space<semaphore_mem>>) attributes {dimension_semantics = [#tpu.dimension_semantics<core_parallel>, #tpu.dimension_semantics<subcore_parallel>], iteration_bounds = array<i64: 2, 16>, scalar_prefetch = 0 : i64, scratch_operands = 3 : i64, tpu.core_type = #tpu.core_type<sc_vector_subcore>, window_params = [{transform_indices = #map}, {transform_indices = #map1}, {transform_indices = #map}]} {
    %mul3A = arith.constant 2 : i32
    %mul3A_0 = arith.muli %arg1, %mul3A : i32
    %add3A = arith.addi %mul3A_0, %arg0 : i32
    %mul3A_1 = arith.constant 2 : i32
    %mul3A_2 = arith.muli %add3A, %mul3A_1 : i32
    %dma_start3A = arith.constant 0 : i32
    %dma_start3A_3 = tpu.memref_slice %arg2[%mul3A_2, %dma_start3A] : memref<64x80xi32, #tpu.memory_space<hbm>> -> memref<2x80xi32, #tpu.memory_space<hbm>>
    %dma_start3A_4 = arith.constant 0 : i32
    %dma_start3A_5 = tpu.memref_slice %arg2[%mul3A_2, %dma_start3A_4] : memref<64x80xi32, #tpu.memory_space<hbm>> -> memref<2x80xi32, #tpu.memory_space<hbm>>
    tpu.enqueue_dma source(%dma_start3A_5 : memref<2x80xi32, #tpu.memory_space<hbm>>) target(%arg5 : memref<2x80xi32, #tpu.memory_space<vmem>>) target_semaphore(%arg7 : memref<!tpu.dma_semaphore, #tpu.memory_space<semaphore_mem>>)
    %dma_start3A_6 = arith.constant 0 : i32
    %dma_start3A_7 = arith.constant 0 : i32
    %dma_start3A_8 = tpu.memref_slice %arg3[%mul3A_2, %dma_start3A_6, %dma_start3A_7] : memref<64x80x8xf32, #tpu.memory_space<hbm>> -> memref<2x80x8xf32, #tpu.memory_space<hbm>>
    %dma_start3A_9 = arith.constant 0 : i32
    %dma_start3A_10 = arith.constant 0 : i32
    %dma_start3A_11 = tpu.memref_slice %arg3[%mul3A_2, %dma_start3A_9, %dma_start3A_10] : memref<64x80x8xf32, #tpu.memory_space<hbm>> -> memref<2x80x8xf32, #tpu.memory_space<hbm>>
    tpu.enqueue_dma source(%dma_start3A_11 : memref<2x80x8xf32, #tpu.memory_space<hbm>>) target(%arg6 : memref<2x80x8xf32, #tpu.memory_space<vmem>>) target_semaphore(%arg7 : memref<!tpu.dma_semaphore, #tpu.memory_space<semaphore_mem>>)
    %dma_wait3A = arith.constant 0 : i32
    %dma_wait3A_12 = tpu.memref_slice %arg2[%mul3A_2, %dma_wait3A] : memref<64x80xi32, #tpu.memory_space<hbm>> -> memref<2x80xi32, #tpu.memory_space<hbm>>
    %dma_wait3A_13 = arith.constant 0 : i32
    %dma_wait3A_14 = tpu.memref_slice %arg2[%mul3A_2, %dma_wait3A_13] : memref<64x80xi32, #tpu.memory_space<hbm>> -> memref<2x80xi32, #tpu.memory_space<hbm>>
    tpu.wait_dma2 semaphore(%arg7 : memref<!tpu.dma_semaphore, #tpu.memory_space<semaphore_mem>>) src(%dma_wait3A_14 : memref<2x80xi32, #tpu.memory_space<hbm>>) dst(%arg5 : memref<2x80xi32, #tpu.memory_space<vmem>>)
    %dma_wait3A_15 = arith.constant 0 : i32
    %dma_wait3A_16 = arith.constant 0 : i32
    %dma_wait3A_17 = tpu.memref_slice %arg3[%mul3A_2, %dma_wait3A_15, %dma_wait3A_16] : memref<64x80x8xf32, #tpu.memory_space<hbm>> -> memref<2x80x8xf32, #tpu.memory_space<hbm>>
    %dma_wait3A_18 = arith.constant 0 : i32
    %dma_wait3A_19 = arith.constant 0 : i32
    %dma_wait3A_20 = tpu.memref_slice %arg3[%mul3A_2, %dma_wait3A_18, %dma_wait3A_19] : memref<64x80x8xf32, #tpu.memory_space<hbm>> -> memref<2x80x8xf32, #tpu.memory_space<hbm>>
    tpu.wait_dma2 semaphore(%arg7 : memref<!tpu.dma_semaphore, #tpu.memory_space<semaphore_mem>>) src(%dma_wait3A_20 : memref<2x80x8xf32, #tpu.memory_space<hbm>>) dst(%arg6 : memref<2x80x8xf32, #tpu.memory_space<vmem>>)
    %dma_start3A_21 = arith.constant 0 : i32
    %dma_start3A_22 = arith.constant 0 : i32
    %dma_start3A_23 = arith.constant 0 : i32
    %dma_start3A_24 = arith.constant 0 : i32
    %dma_start3A_25 = tpu.memref_slice %arg6[%dma_start3A_21, %dma_start3A_23, %dma_start3A_24] : memref<2x80x8xf32, #tpu.memory_space<vmem>> -> memref<1x80x8xf32, #tpu.memory_space<vmem>>
    %dma_start3A_26 = tpu.memref_squeeze %dma_start3A_25 : memref<1x80x8xf32, #tpu.memory_space<vmem>> -> memref<80x8xf32, #tpu.memory_space<vmem>>
    %dma_start3A_27 = arith.constant 0 : i32
    %dma_start3A_28 = tpu.memref_slice %arg5[%dma_start3A_22, %dma_start3A_27] : memref<2x80xi32, #tpu.memory_space<vmem>> -> memref<1x80xi32, #tpu.memory_space<vmem>>
    %dma_start3A_29 = tpu.memref_squeeze %dma_start3A_28 : memref<1x80xi32, #tpu.memory_space<vmem>> -> memref<80xi32, #tpu.memory_space<vmem>>
    %dma_start3A_30 = arith.constant 0 : i32
    %dma_start3A_31 = arith.constant 0 : i32
    %dma_start3A_32 = tpu.memref_slice %arg4[%dma_start3A_30, %dma_start3A_31] : memref<5120x8xf32, #tpu.memory_space<hbm>> -> memref<5120x8xf32, #tpu.memory_space<hbm>>
    tpu.enqueue_indirect_dma source(%dma_start3A_26 : memref<80x8xf32, #tpu.memory_space<vmem>>) target(%dma_start3A_32 : memref<5120x8xf32, #tpu.memory_space<hbm>>) offsets(%dma_start3A_29 : memref<80xi32, #tpu.memory_space<vmem>>) semaphore(%arg7 : memref<!tpu.dma_semaphore, #tpu.memory_space<semaphore_mem>>)
    %dma_start3A_33 = arith.constant 1 : i32
    %dma_start3A_34 = arith.constant 1 : i32
    %dma_start3A_35 = arith.constant 0 : i32
    %dma_start3A_36 = arith.constant 0 : i32
    %dma_start3A_37 = tpu.memref_slice %arg6[%dma_start3A_33, %dma_start3A_35, %dma_start3A_36] : memref<2x80x8xf32, #tpu.memory_space<vmem>> -> memref<1x80x8xf32, #tpu.memory_space<vmem>>
    %dma_start3A_38 = tpu.memref_squeeze %dma_start3A_37 : memref<1x80x8xf32, #tpu.memory_space<vmem>> -> memref<80x8xf32, #tpu.memory_space<vmem>>
    %dma_start3A_39 = arith.constant 0 : i32
    %dma_start3A_40 = tpu.memref_slice %arg5[%dma_start3A_34, %dma_start3A_39] : memref<2x80xi32, #tpu.memory_space<vmem>> -> memref<1x80xi32, #tpu.memory_space<vmem>>
    %dma_start3A_41 = tpu.memref_squeeze %dma_start3A_40 : memref<1x80xi32, #tpu.memory_space<vmem>> -> memref<80xi32, #tpu.memory_space<vmem>>
    %dma_start3A_42 = arith.constant 0 : i32
    %dma_start3A_43 = arith.constant 0 : i32
    %dma_start3A_44 = tpu.memref_slice %arg4[%dma_start3A_42, %dma_start3A_43] : memref<5120x8xf32, #tpu.memory_space<hbm>> -> memref<5120x8xf32, #tpu.memory_space<hbm>>
    tpu.enqueue_indirect_dma source(%dma_start3A_38 : memref<80x8xf32, #tpu.memory_space<vmem>>) target(%dma_start3A_44 : memref<5120x8xf32, #tpu.memory_space<hbm>>) offsets(%dma_start3A_41 : memref<80xi32, #tpu.memory_space<vmem>>) semaphore(%arg7 : memref<!tpu.dma_semaphore, #tpu.memory_space<semaphore_mem>>)
    %dma_wait3A_45 = arith.constant 0 : i32
    %dma_wait3A_46 = arith.constant 0 : i32
    %dma_wait3A_47 = arith.constant 0 : i32
    %dma_wait3A_48 = arith.constant 0 : i32
    %dma_wait3A_49 = tpu.memref_slice %arg6[%dma_wait3A_45, %dma_wait3A_47, %dma_wait3A_48] : memref<2x80x8xf32, #tpu.memory_space<vmem>> -> memref<1x80x8xf32, #tpu.memory_space<vmem>>
    %dma_wait3A_50 = tpu.memref_squeeze %dma_wait3A_49 : memref<1x80x8xf32, #tpu.memory_space<vmem>> -> memref<80x8xf32, #tpu.memory_space<vmem>>
    %dma_wait3A_51 = arith.constant 0 : i32
    %dma_wait3A_52 = tpu.memref_slice %arg5[%dma_wait3A_46, %dma_wait3A_51] : memref<2x80xi32, #tpu.memory_space<vmem>> -> memref<1x80xi32, #tpu.memory_space<vmem>>
    %dma_wait3A_53 = tpu.memref_squeeze %dma_wait3A_52 : memref<1x80xi32, #tpu.memory_space<vmem>> -> memref<80xi32, #tpu.memory_space<vmem>>
    %dma_wait3A_54 = arith.constant 0 : i32
    %dma_wait3A_55 = arith.constant 0 : i32
    %dma_wait3A_56 = tpu.memref_slice %arg4[%dma_wait3A_54, %dma_wait3A_55] : memref<5120x8xf32, #tpu.memory_space<hbm>> -> memref<5120x8xf32, #tpu.memory_space<hbm>>
    tpu.wait_indirect_dma semaphore(%arg7 : memref<!tpu.dma_semaphore, #tpu.memory_space<semaphore_mem>>) src(%dma_wait3A_50 : memref<80x8xf32, #tpu.memory_space<vmem>>) dst(%dma_wait3A_56 : memref<5120x8xf32, #tpu.memory_space<hbm>>)
    %dma_wait3A_57 = arith.constant 1 : i32
    %dma_wait3A_58 = arith.constant 1 : i32
    %dma_wait3A_59 = arith.constant 0 : i32
    %dma_wait3A_60 = arith.constant 0 : i32
    %dma_wait3A_61 = tpu.memref_slice %arg6[%dma_wait3A_57, %dma_wait3A_59, %dma_wait3A_60] : memref<2x80x8xf32, #tpu.memory_space<vmem>> -> memref<1x80x8xf32, #tpu.memory_space<vmem>>
    %dma_wait3A_62 = tpu.memref_squeeze %dma_wait3A_61 : memref<1x80x8xf32, #tpu.memory_space<vmem>> -> memref<80x8xf32, #tpu.memory_space<vmem>>
    %dma_wait3A_63 = arith.constant 0 : i32
    %dma_wait3A_64 = tpu.memref_slice %arg5[%dma_wait3A_58, %dma_wait3A_63] : memref<2x80xi32, #tpu.memory_space<vmem>> -> memref<1x80xi32, #tpu.memory_space<vmem>>
    %dma_wait3A_65 = tpu.memref_squeeze %dma_wait3A_64 : memref<1x80xi32, #tpu.memory_space<vmem>> -> memref<80xi32, #tpu.memory_space<vmem>>
    %dma_wait3A_66 = arith.constant 0 : i32
    %dma_wait3A_67 = arith.constant 0 : i32
    %dma_wait3A_68 = tpu.memref_slice %arg4[%dma_wait3A_66, %dma_wait3A_67] : memref<5120x8xf32, #tpu.memory_space<hbm>> -> memref<5120x8xf32, #tpu.memory_space<hbm>>
    tpu.wait_indirect_dma semaphore(%arg7 : memref<!tpu.dma_semaphore, #tpu.memory_space<semaphore_mem>>) src(%dma_wait3A_62 : memref<80x8xf32, #tpu.memory_space<vmem>>) dst(%dma_wait3A_68 : memref<5120x8xf32, #tpu.memory_space<hbm>>)
    return
  }
}

module attributes {stable_mosaic.version = 14 : i64} {
  func.func @_rank_body(%arg0: i32, %arg1: memref<1024x1xf32, #tpu.memory_space<vmem>>, %arg2: memref<1x5120xf32, #tpu.memory_space<vmem>>, %arg3: memref<1024x4xf32, #tpu.memory_space<vmem>>, %arg4: memref<1024x1xi32, #tpu.memory_space<vmem>>, %arg5: memref<1024x8xf32, #tpu.memory_space<vmem>>) attributes {dimension_semantics = [#tpu.dimension_semantics<arbitrary>], iteration_bounds = array<i64: 5>, scalar_prefetch = 0 : i64, scratch_operands = 0 : i64, tpu.core_type = #tpu.core_type<tc>, window_params = [{transform_indices = @transform_0, window_bounds = array<i64: 1024, 1>}, {pipeline_mode = #tpu.pipeline_mode<synchronous>, transform_indices = @transform_1, window_bounds = array<i64: 1, 5120>}, {transform_indices = @transform_2, window_bounds = array<i64: 1024, 4>}, {transform_indices = @transform_3, window_bounds = array<i64: 1024, 1>}, {transform_indices = @transform_4, window_bounds = array<i64: 1024, 8>}]} {
    %get3A = arith.constant 0 : index
    %get3A_0 = arith.constant 0 : index
    %get3A_1 = vector.load %arg1[%get3A, %get3A_0] : memref<1024x1xf32, #tpu.memory_space<vmem>>, vector<1024x1xf32>
    %bitcast_convert_type3A = tpu.bitcast %get3A_1 : vector<1024x1xf32> -> vector<1024x1xi32>
    %mul3A = arith.constant 2 : i32
    %mul3A_2 = vector.broadcast %mul3A : i32 to vector<1024x1xi32>
    %mul3A_3 = arith.muli %mul3A_2, %bitcast_convert_type3A : vector<1024x1xi32>
    %get3A_4 = arith.constant 0 : index
    %get3A_5 = arith.constant 0 : index
    %get3A_6 = vector.load %arg2[%get3A_4, %get3A_5] : memref<1x5120xf32, #tpu.memory_space<vmem>>, vector<1x5120xf32>
    %bitcast_convert_type3A_7 = tpu.bitcast %get3A_6 : vector<1x5120xf32> -> vector<1x5120xi32>
    %mul3A_8 = arith.constant 2 : i32
    %mul3A_9 = vector.broadcast %mul3A_8 : i32 to vector<1x5120xi32>
    %mul3A_10 = arith.muli %mul3A_9, %bitcast_convert_type3A_7 : vector<1x5120xi32>
    %mul3A_11 = arith.constant 1024 : i32
    %mul3A_12 = arith.muli %arg0, %mul3A_11 : i32
    %iota3A = tpu.iota {dimensions = array<i32: 0>} : vector<1024x5120xi32>
    %add3A = vector.broadcast %mul3A_12 : i32 to vector<1024x5120xi32>
    %add3A_13 = arith.addi %add3A, %iota3A : vector<1024x5120xi32>
    %iota3A_14 = tpu.iota {dimensions = array<i32: 1>} : vector<1024x5120xi32>
    %lt3A = arith.cmpi slt, %iota3A_14, %add3A_13 : vector<1024x5120xi32>
    %convert_element_type3A = arith.extui %lt3A : vector<1024x5120xi1> to vector<1024x5120xi32>
    %add3A_15 = vector.broadcast %mul3A_10 : vector<1x5120xi32> to vector<1024x5120xi32>
    %add3A_16 = arith.addi %add3A_15, %convert_element_type3A : vector<1024x5120xi32>
    %gt3A = vector.broadcast %mul3A_3 : vector<1024x1xi32> to vector<1024x5120xi32>
    %gt3A_17 = arith.cmpi sgt, %add3A_16, %gt3A : vector<1024x5120xi32>
    %convert_element_type3A_18 = arith.extui %gt3A_17 : vector<1024x5120xi1> to vector<1024x5120xi32>
    %reduce_sum3A = arith.constant dense<0> : vector<1024xi32>
    %reduce_sum3A_19 = vector.multi_reduction <add>, %convert_element_type3A_18, %reduce_sum3A [1] : vector<1024x5120xi32> to vector<1024xi32>
    %broadcast_in_dim3A = vector.shape_cast %reduce_sum3A_19 : vector<1024xi32> to vector<1024x1xi32>
    %swap3A = arith.constant 0 : index
    %swap3A_20 = arith.constant 0 : index
    %swap3A_21 = vector.load %arg4[%swap3A, %swap3A_20] : memref<1024x1xi32, #tpu.memory_space<vmem>>, vector<1024x1xi32>
    tpu.vector_store %arg4[%swap3A, %swap3A_20], %broadcast_in_dim3A {strides = array<i32>} : memref<1024x1xi32, #tpu.memory_space<vmem>>, vector<1024x1xi32>,
    %get3A_22 = arith.constant 0 : index
    %get3A_23 = arith.constant 0 : index
    %get3A_24 = vector.load %arg3[%get3A_22, %get3A_23] : memref<1024x4xf32, #tpu.memory_space<vmem>>, vector<1024x4xf32>
    %get3A_25 = arith.constant 0 : index
    %get3A_26 = arith.constant 0 : index
    %get3A_27 = vector.load %arg1[%get3A_25, %get3A_26] : memref<1024x1xf32, #tpu.memory_space<vmem>>, vector<1024x1xf32>
    %broadcast_in_dim3A_28 = arith.constant 0.000000e+00 : f32
    %broadcast_in_dim3A_29 = vector.broadcast %broadcast_in_dim3A_28 : f32 to vector<1024x3xf32>
    %concatenate3A = tpu.concatenate %get3A_24, %get3A_27, %broadcast_in_dim3A_29 in 1 : vector<1024x4xf32>, vector<1024x1xf32>, vector<1024x3xf32> -> vector<1024x8xf32>
    %swap3A_30 = arith.constant 0 : index
    %swap3A_31 = arith.constant 0 : index
    %swap3A_32 = vector.load %arg5[%swap3A_30, %swap3A_31] : memref<1024x8xf32, #tpu.memory_space<vmem>>, vector<1024x8xf32>
    tpu.vector_store %arg5[%swap3A_30, %swap3A_31], %concatenate3A {strides = array<i32>} : memref<1024x8xf32, #tpu.memory_space<vmem>>, vector<1024x8xf32>,
    return
  }
  func.func @transform_0(%arg0: i32) -> (i32, i32) {
    %c0_i32 = arith.constant 0 : i32
    %c0_i32_0 = arith.constant 0 : i32
    return %arg0, %c0_i32 : i32, i32
  }
  func.func @transform_1(%arg0: i32) -> (i32, i32) {
    %c0_i32 = arith.constant 0 : i32
    %c0_i32_0 = arith.constant 0 : i32
    %c0_i32_1 = arith.constant 0 : i32
    return %c0_i32, %c0_i32_0 : i32, i32
  }
  func.func @transform_2(%arg0: i32) -> (i32, i32) {
    %c0_i32 = arith.constant 0 : i32
    %c0_i32_0 = arith.constant 0 : i32
    return %arg0, %c0_i32 : i32, i32
  }
  func.func @transform_3(%arg0: i32) -> (i32, i32) {
    %c0_i32 = arith.constant 0 : i32
    %c0_i32_0 = arith.constant 0 : i32
    return %arg0, %c0_i32 : i32, i32
  }
  func.func @transform_4(%arg0: i32) -> (i32, i32) {
    %c0_i32 = arith.constant 0 : i32
    %c0_i32_0 = arith.constant 0 : i32
    return %arg0, %c0_i32 : i32, i32
  }
}

module attributes {stable_mosaic.version = 14 : i64} {
  func.func @_fused_body(%arg0: i32, %arg1: memref<15xi32, #tpu.memory_space<smem>>, %arg2: memref<15xi32, #tpu.memory_space<smem>>, %arg3: memref<1024x8xf32, #tpu.memory_space<vmem>>, %arg4: memref<8x1024xf32, #tpu.memory_space<vmem>>, %arg5: memref<1x1024xf32, #tpu.memory_space<vmem>>, %arg6: memref<5x1x1024xf32, #tpu.memory_space<vmem>>, %arg7: memref<5x1024x1xf32, #tpu.memory_space<vmem>>) attributes {dimension_semantics = [#tpu.dimension_semantics<arbitrary>], iteration_bounds = array<i64: 15>, scalar_prefetch = 2 : i64, scratch_operands = 2 : i64, tpu.core_type = #tpu.core_type<tc>, window_params = [{transform_indices = @transform_0, window_bounds = array<i64: 1024, 8>}, {transform_indices = @transform_1, window_bounds = array<i64: 8, 1024>}, {transform_indices = @transform_2, window_bounds = array<i64: 1, 1024>}]} {
    %get3A = arith.index_cast %arg0 : i32 to index
    %get3A_0 = memref.load %arg1[%get3A] : memref<15xi32, #tpu.memory_space<smem>>
    %get3A_1 = arith.index_cast %arg0 : i32 to index
    %get3A_2 = memref.load %arg2[%get3A_1] : memref<15xi32, #tpu.memory_space<smem>>
    %eq3A = arith.constant 0 : i32
    %eq3A_3 = arith.cmpi eq, %arg0, %eq3A : i32
    %convert_element_type3A = arith.extui %eq3A_3 : i1 to i32
    %cond3A = arith.constant 0 : i32
    %cond3A_4 = arith.cmpi ne, %convert_element_type3A, %cond3A : i32
    scf.if %cond3A_4 {
      %broadcast_in_dim3A = arith.constant 0.000000e+00 : f32
      %broadcast_in_dim3A_17 = vector.broadcast %broadcast_in_dim3A : f32 to vector<5x1x1024xf32>
      %swap3A = arith.constant 0 : index
      %swap3A_18 = arith.constant 0 : index
      %swap3A_19 = arith.constant 0 : index
      %swap3A_20 = vector.load %arg6[%swap3A, %swap3A_18, %swap3A_19] : memref<5x1x1024xf32, #tpu.memory_space<vmem>>, vector<5x1x1024xf32>
      tpu.vector_store %arg6[%swap3A, %swap3A_18, %swap3A_19], %broadcast_in_dim3A_17 {strides = array<i32>} : memref<5x1x1024xf32, #tpu.memory_space<vmem>>, vector<5x1x1024xf32>,
    } else {
    }
    %eq3A_5 = arith.constant 0 : i32
    %eq3A_6 = arith.cmpi eq, %get3A_0, %eq3A_5 : i32
    %convert_element_type3A_7 = arith.extui %eq3A_6 : i1 to i32
    %cond3A_8 = arith.constant 0 : i32
    %cond3A_9 = arith.cmpi ne, %convert_element_type3A_7, %cond3A_8 : i32
    scf.if %cond3A_9 {
      %broadcast_in_dim3A = arith.constant 0.000000e+00 : f32
      %broadcast_in_dim3A_17 = vector.broadcast %broadcast_in_dim3A : f32 to vector<1x1024xf32>
      %swap3A = arith.constant 0 : index
      %swap3A_18 = arith.constant 0 : index
      %swap3A_19 = vector.load %arg5[%swap3A, %swap3A_18] : memref<1x1024xf32, #tpu.memory_space<vmem>>, vector<1x1024xf32>
      tpu.vector_store %arg5[%swap3A, %swap3A_18], %broadcast_in_dim3A_17 {strides = array<i32>} : memref<1x1024xf32, #tpu.memory_space<vmem>>, vector<1x1024xf32>,
    } else {
    }
    %lt3A = arith.cmpi slt, %get3A_0, %get3A_2 : i32
    %convert_element_type3A_10 = arith.extui %lt3A : i1 to i32
    %cond3A_11 = arith.constant 0 : i32
    %cond3A_12 = arith.cmpi ne, %convert_element_type3A_10, %cond3A_11 : i32
    scf.if %cond3A_12 {
      %get3A_17 = arith.constant 0 : index
      %get3A_18 = arith.constant 0 : index
      %get3A_19 = vector.load %arg3[%get3A_17, %get3A_18] : memref<1024x8xf32, #tpu.memory_space<vmem>>, vector<1024x8xf32>
      %get3A_20 = arith.constant 0 : index
      %get3A_21 = arith.constant 0 : index
      %get3A_22 = vector.load %arg4[%get3A_20, %get3A_21] : memref<8x1024xf32, #tpu.memory_space<vmem>>, vector<8x1024xf32>
      %slice3A = vector.extract_strided_slice %get3A_19 {offsets = [0, 0], sizes = [1024, 1], strides = [1, 1]} : vector<1024x8xf32> to vector<1024x1xf32>
      %slice3A_23 = vector.extract_strided_slice %get3A_19 {offsets = [0, 1], sizes = [1024, 1], strides = [1, 1]} : vector<1024x8xf32> to vector<1024x1xf32>
      %slice3A_24 = vector.extract_strided_slice %get3A_19 {offsets = [0, 2], sizes = [1024, 1], strides = [1, 1]} : vector<1024x8xf32> to vector<1024x1xf32>
      %slice3A_25 = vector.extract_strided_slice %get3A_19 {offsets = [0, 3], sizes = [1024, 1], strides = [1, 1]} : vector<1024x8xf32> to vector<1024x1xf32>
      %slice3A_26 = vector.extract_strided_slice %get3A_22 {offsets = [0, 0], sizes = [1, 1024], strides = [1, 1]} : vector<8x1024xf32> to vector<1x1024xf32>
      %slice3A_27 = vector.extract_strided_slice %get3A_22 {offsets = [1, 0], sizes = [1, 1024], strides = [1, 1]} : vector<8x1024xf32> to vector<1x1024xf32>
      %slice3A_28 = vector.extract_strided_slice %get3A_22 {offsets = [2, 0], sizes = [1, 1024], strides = [1, 1]} : vector<8x1024xf32> to vector<1x1024xf32>
      %slice3A_29 = vector.extract_strided_slice %get3A_22 {offsets = [3, 0], sizes = [1, 1024], strides = [1, 1]} : vector<8x1024xf32> to vector<1x1024xf32>
      %max3A = vector.broadcast %slice3A : vector<1024x1xf32> to vector<1024x1024xf32>
      %max3A_30 = vector.broadcast %slice3A_26 : vector<1x1024xf32> to vector<1024x1024xf32>
      %max3A_31 = arith.maximumf %max3A, %max3A_30 : vector<1024x1024xf32>
      %max3A_32 = vector.broadcast %slice3A_23 : vector<1024x1xf32> to vector<1024x1024xf32>
      %max3A_33 = vector.broadcast %slice3A_27 : vector<1x1024xf32> to vector<1024x1024xf32>
      %max3A_34 = arith.maximumf %max3A_32, %max3A_33 : vector<1024x1024xf32>
      %min3A = vector.broadcast %slice3A_24 : vector<1024x1xf32> to vector<1024x1024xf32>
      %min3A_35 = vector.broadcast %slice3A_28 : vector<1x1024xf32> to vector<1024x1024xf32>
      %min3A_36 = arith.minimumf %min3A, %min3A_35 : vector<1024x1024xf32>
      %min3A_37 = vector.broadcast %slice3A_25 : vector<1024x1xf32> to vector<1024x1024xf32>
      %min3A_38 = vector.broadcast %slice3A_29 : vector<1x1024xf32> to vector<1024x1024xf32>
      %min3A_39 = arith.minimumf %min3A_37, %min3A_38 : vector<1024x1024xf32>
      %sub3A = arith.subf %min3A_36, %max3A_31 : vector<1024x1024xf32>
      %max3A_40 = arith.constant 0.000000e+00 : f32
      %max3A_41 = vector.broadcast %max3A_40 : f32 to vector<1024x1024xf32>
      %max3A_42 = arith.maximumf %sub3A, %max3A_41 : vector<1024x1024xf32>
      %sub3A_43 = arith.subf %min3A_39, %max3A_34 : vector<1024x1024xf32>
      %max3A_44 = arith.constant 0.000000e+00 : f32
      %max3A_45 = vector.broadcast %max3A_44 : f32 to vector<1024x1024xf32>
      %max3A_46 = arith.maximumf %sub3A_43, %max3A_45 : vector<1024x1024xf32>
      %mul3A = arith.mulf %max3A_42, %max3A_46 : vector<1024x1024xf32>
      %sub3A_47 = arith.subf %slice3A_24, %slice3A : vector<1024x1xf32>
      %sub3A_48 = arith.subf %slice3A_25, %slice3A_23 : vector<1024x1xf32>
      %mul3A_49 = arith.mulf %sub3A_47, %sub3A_48 : vector<1024x1xf32>
      %sub3A_50 = arith.subf %slice3A_28, %slice3A_26 : vector<1x1024xf32>
      %sub3A_51 = arith.subf %slice3A_29, %slice3A_27 : vector<1x1024xf32>
      %mul3A_52 = arith.mulf %sub3A_50, %sub3A_51 : vector<1x1024xf32>
      %add3A = vector.broadcast %mul3A_49 : vector<1024x1xf32> to vector<1024x1024xf32>
      %add3A_53 = vector.broadcast %mul3A_52 : vector<1x1024xf32> to vector<1024x1024xf32>
      %add3A_54 = arith.addf %add3A, %add3A_53 : vector<1024x1024xf32>
      %sub3A_55 = arith.subf %add3A_54, %mul3A : vector<1024x1024xf32>
      %reciprocal3A = tpu.reciprocal %sub3A_55 {approx = true} : vector<1024x1024xf32> -> vector<1024x1024xf32>
      %mul3A_56 = arith.mulf %mul3A, %reciprocal3A : vector<1024x1024xf32>
      %get3A_57 = arith.index_cast %get3A_2 : i32 to index
      %get3A_58 = arith.constant 0 : index
      %get3A_59 = arith.constant 0 : index
      %get3A_60 = vector.load %arg6[%get3A_57, %get3A_58, %get3A_59] : memref<5x1x1024xf32, #tpu.memory_space<vmem>>, vector<1x1x1024xf32>
      %get3A_61 = vector.shape_cast %get3A_60 : vector<1x1x1024xf32> to vector<1x1024xf32>
      %reduce_max3A = arith.constant dense<0xFF800000> : vector<1024xf32>
      %reduce_max3A_62 = vector.multi_reduction <maximumf>, %mul3A_56, %reduce_max3A [0] : vector<1024x1024xf32> to vector<1024xf32>
      %broadcast_in_dim3A = vector.shape_cast %reduce_max3A_62 : vector<1024xf32> to vector<1x1024xf32>
      %max3A_63 = arith.maximumf %get3A_61, %broadcast_in_dim3A : vector<1x1024xf32>
      %swap3A = arith.index_cast %get3A_2 : i32 to index
      %swap3A_64 = arith.constant 0 : index
      %swap3A_65 = arith.constant 0 : index
      %swap3A_66 = vector.load %arg6[%swap3A, %swap3A_64, %swap3A_65] : memref<5x1x1024xf32, #tpu.memory_space<vmem>>, vector<1x1x1024xf32>
      %swap3A_67 = vector.shape_cast %swap3A_66 : vector<1x1x1024xf32> to vector<1x1024xf32>
      %swap3A_68 = vector.shape_cast %max3A_63 : vector<1x1024xf32> to vector<1x1x1024xf32>
      tpu.vector_store %arg6[%swap3A, %swap3A_64, %swap3A_65], %swap3A_68 {strides = array<i32>} : memref<5x1x1024xf32, #tpu.memory_space<vmem>>, vector<1x1x1024xf32>,
      %get3A_69 = arith.index_cast %get3A_0 : i32 to index
      %get3A_70 = arith.constant 0 : index
      %get3A_71 = arith.constant 0 : index
      %get3A_72 = vector.load %arg7[%get3A_69, %get3A_70, %get3A_71] : memref<5x1024x1xf32, #tpu.memory_space<vmem>>, vector<1x1024x1xf32>
      %get3A_73 = vector.shape_cast %get3A_72 : vector<1x1024x1xf32> to vector<1024x1xf32>
      %mul3A_74 = arith.mulf %mul3A_56, %mul3A_56 : vector<1024x1024xf32>
      %mul3A_75 = arith.mulf %get3A_73, %get3A_73 : vector<1024x1xf32>
      %sub3A_76 = vector.broadcast %mul3A_75 : vector<1024x1xf32> to vector<1024x1024xf32>
      %sub3A_77 = arith.subf %mul3A_74, %sub3A_76 : vector<1024x1024xf32>
      %get3A_78 = arith.constant 0 : index
      %get3A_79 = arith.constant 0 : index
      %get3A_80 = vector.load %arg5[%get3A_78, %get3A_79] : memref<1x1024xf32, #tpu.memory_space<vmem>>, vector<1x1024xf32>
      %reduce_max3A_81 = arith.constant dense<0xFF800000> : vector<1024xf32>
      %reduce_max3A_82 = vector.multi_reduction <maximumf>, %sub3A_77, %reduce_max3A_81 [0] : vector<1024x1024xf32> to vector<1024xf32>
      %broadcast_in_dim3A_83 = vector.shape_cast %reduce_max3A_82 : vector<1024xf32> to vector<1x1024xf32>
      %max3A_84 = arith.maximumf %get3A_80, %broadcast_in_dim3A_83 : vector<1x1024xf32>
      %swap3A_85 = arith.constant 0 : index
      %swap3A_86 = arith.constant 0 : index
      %swap3A_87 = vector.load %arg5[%swap3A_85, %swap3A_86] : memref<1x1024xf32, #tpu.memory_space<vmem>>, vector<1x1024xf32>
      tpu.vector_store %arg5[%swap3A_85, %swap3A_86], %max3A_84 {strides = array<i32>} : memref<1x1024xf32, #tpu.memory_space<vmem>>, vector<1x1024xf32>,
    } else {
    }
    %eq3A_13 = arith.cmpi eq, %get3A_0, %get3A_2 : i32
    %convert_element_type3A_14 = arith.extui %eq3A_13 : i1 to i32
    %cond3A_15 = arith.constant 0 : i32
    %cond3A_16 = arith.cmpi ne, %convert_element_type3A_14, %cond3A_15 : i32
    scf.if %cond3A_16 {
      %get3A_17 = arith.constant 0 : index
      %get3A_18 = arith.constant 0 : index
      %get3A_19 = vector.load %arg3[%get3A_17, %get3A_18] : memref<1024x8xf32, #tpu.memory_space<vmem>>, vector<1024x8xf32>
      %get3A_20 = arith.constant 0 : index
      %get3A_21 = arith.constant 0 : index
      %get3A_22 = vector.load %arg4[%get3A_20, %get3A_21] : memref<8x1024xf32, #tpu.memory_space<vmem>>, vector<8x1024xf32>
      %slice3A = vector.extract_strided_slice %get3A_19 {offsets = [0, 0], sizes = [1024, 1], strides = [1, 1]} : vector<1024x8xf32> to vector<1024x1xf32>
      %slice3A_23 = vector.extract_strided_slice %get3A_19 {offsets = [0, 1], sizes = [1024, 1], strides = [1, 1]} : vector<1024x8xf32> to vector<1024x1xf32>
      %slice3A_24 = vector.extract_strided_slice %get3A_19 {offsets = [0, 2], sizes = [1024, 1], strides = [1, 1]} : vector<1024x8xf32> to vector<1024x1xf32>
      %slice3A_25 = vector.extract_strided_slice %get3A_19 {offsets = [0, 3], sizes = [1024, 1], strides = [1, 1]} : vector<1024x8xf32> to vector<1024x1xf32>
      %slice3A_26 = vector.extract_strided_slice %get3A_22 {offsets = [0, 0], sizes = [1, 1024], strides = [1, 1]} : vector<8x1024xf32> to vector<1x1024xf32>
      %slice3A_27 = vector.extract_strided_slice %get3A_22 {offsets = [1, 0], sizes = [1, 1024], strides = [1, 1]} : vector<8x1024xf32> to vector<1x1024xf32>
      %slice3A_28 = vector.extract_strided_slice %get3A_22 {offsets = [2, 0], sizes = [1, 1024], strides = [1, 1]} : vector<8x1024xf32> to vector<1x1024xf32>
      %slice3A_29 = vector.extract_strided_slice %get3A_22 {offsets = [3, 0], sizes = [1, 1024], strides = [1, 1]} : vector<8x1024xf32> to vector<1x1024xf32>
      %max3A = vector.broadcast %slice3A : vector<1024x1xf32> to vector<1024x1024xf32>
      %max3A_30 = vector.broadcast %slice3A_26 : vector<1x1024xf32> to vector<1024x1024xf32>
      %max3A_31 = arith.maximumf %max3A, %max3A_30 : vector<1024x1024xf32>
      %max3A_32 = vector.broadcast %slice3A_23 : vector<1024x1xf32> to vector<1024x1024xf32>
      %max3A_33 = vector.broadcast %slice3A_27 : vector<1x1024xf32> to vector<1024x1024xf32>
      %max3A_34 = arith.maximumf %max3A_32, %max3A_33 : vector<1024x1024xf32>
      %min3A = vector.broadcast %slice3A_24 : vector<1024x1xf32> to vector<1024x1024xf32>
      %min3A_35 = vector.broadcast %slice3A_28 : vector<1x1024xf32> to vector<1024x1024xf32>
      %min3A_36 = arith.minimumf %min3A, %min3A_35 : vector<1024x1024xf32>
      %min3A_37 = vector.broadcast %slice3A_25 : vector<1024x1xf32> to vector<1024x1024xf32>
      %min3A_38 = vector.broadcast %slice3A_29 : vector<1x1024xf32> to vector<1024x1024xf32>
      %min3A_39 = arith.minimumf %min3A_37, %min3A_38 : vector<1024x1024xf32>
      %sub3A = arith.subf %min3A_36, %max3A_31 : vector<1024x1024xf32>
      %max3A_40 = arith.constant 0.000000e+00 : f32
      %max3A_41 = vector.broadcast %max3A_40 : f32 to vector<1024x1024xf32>
      %max3A_42 = arith.maximumf %sub3A, %max3A_41 : vector<1024x1024xf32>
      %sub3A_43 = arith.subf %min3A_39, %max3A_34 : vector<1024x1024xf32>
      %max3A_44 = arith.constant 0.000000e+00 : f32
      %max3A_45 = vector.broadcast %max3A_44 : f32 to vector<1024x1024xf32>
      %max3A_46 = arith.maximumf %sub3A_43, %max3A_45 : vector<1024x1024xf32>
      %mul3A = arith.mulf %max3A_42, %max3A_46 : vector<1024x1024xf32>
      %sub3A_47 = arith.subf %slice3A_24, %slice3A : vector<1024x1xf32>
      %sub3A_48 = arith.subf %slice3A_25, %slice3A_23 : vector<1024x1xf32>
      %mul3A_49 = arith.mulf %sub3A_47, %sub3A_48 : vector<1024x1xf32>
      %sub3A_50 = arith.subf %slice3A_28, %slice3A_26 : vector<1x1024xf32>
      %sub3A_51 = arith.subf %slice3A_29, %slice3A_27 : vector<1x1024xf32>
      %mul3A_52 = arith.mulf %sub3A_50, %sub3A_51 : vector<1x1024xf32>
      %add3A = vector.broadcast %mul3A_49 : vector<1024x1xf32> to vector<1024x1024xf32>
      %add3A_53 = vector.broadcast %mul3A_52 : vector<1x1024xf32> to vector<1024x1024xf32>
      %add3A_54 = arith.addf %add3A, %add3A_53 : vector<1024x1024xf32>
      %sub3A_55 = arith.subf %add3A_54, %mul3A : vector<1024x1024xf32>
      %reciprocal3A = tpu.reciprocal %sub3A_55 {approx = true} : vector<1024x1024xf32> -> vector<1024x1024xf32>
      %mul3A_56 = arith.mulf %mul3A, %reciprocal3A : vector<1024x1024xf32>
      %iota3A = tpu.iota {dimensions = array<i32: 0>} : vector<1024x1024xi32>
      %iota3A_57 = tpu.iota {dimensions = array<i32: 1>} : vector<1024x1024xi32>
      %lt3A_58 = arith.cmpi slt, %iota3A, %iota3A_57 : vector<1024x1024xi32>
      %jit3A = arith.constant 0.000000e+00 : f32
      %broadcast_in_dim3A = vector.broadcast %jit3A : f32 to vector<1024x1024xf32>
      %select_n3A = arith.select %lt3A_58, %mul3A_56, %broadcast_in_dim3A : vector<1024x1024xi1>, vector<1024x1024xf32>
      %get3A_59 = arith.index_cast %get3A_2 : i32 to index
      %get3A_60 = arith.constant 0 : index
      %get3A_61 = arith.constant 0 : index
      %get3A_62 = vector.load %arg6[%get3A_59, %get3A_60, %get3A_61] : memref<5x1x1024xf32, #tpu.memory_space<vmem>>, vector<1x1x1024xf32>
      %get3A_63 = vector.shape_cast %get3A_62 : vector<1x1x1024xf32> to vector<1x1024xf32>
      %reduce_max3A = arith.constant dense<0xFF800000> : vector<1024xf32>
      %reduce_max3A_64 = vector.multi_reduction <maximumf>, %select_n3A, %reduce_max3A [0] : vector<1024x1024xf32> to vector<1024xf32>
      %broadcast_in_dim3A_65 = vector.shape_cast %reduce_max3A_64 : vector<1024xf32> to vector<1x1024xf32>
      %max3A_66 = arith.maximumf %get3A_63, %broadcast_in_dim3A_65 : vector<1x1024xf32>
      %transpose3A = tpu.transpose %max3A_66, [1, 0] : vector<1x1024xf32> -> vector<1024x1xf32>
      %swap3A = arith.index_cast %get3A_2 : i32 to index
      %swap3A_67 = arith.constant 0 : index
      %swap3A_68 = arith.constant 0 : index
      %swap3A_69 = vector.load %arg7[%swap3A, %swap3A_67, %swap3A_68] : memref<5x1024x1xf32, #tpu.memory_space<vmem>>, vector<1x1024x1xf32>
      %swap3A_70 = vector.shape_cast %swap3A_69 : vector<1x1024x1xf32> to vector<1024x1xf32>
      %swap3A_71 = vector.shape_cast %transpose3A : vector<1024x1xf32> to vector<1x1024x1xf32>
      tpu.vector_store %arg7[%swap3A, %swap3A_67, %swap3A_68], %swap3A_71 {strides = array<i32>} : memref<5x1024x1xf32, #tpu.memory_space<vmem>>, vector<1x1024x1xf32>,
      %get3A_72 = arith.index_cast %get3A_2 : i32 to index
      %get3A_73 = arith.constant 0 : index
      %get3A_74 = arith.constant 0 : index
      %get3A_75 = vector.load %arg7[%get3A_72, %get3A_73, %get3A_74] : memref<5x1024x1xf32, #tpu.memory_space<vmem>>, vector<1x1024x1xf32>
      %get3A_76 = vector.shape_cast %get3A_75 : vector<1x1024x1xf32> to vector<1024x1xf32>
      %mul3A_77 = arith.mulf %mul3A_56, %mul3A_56 : vector<1024x1024xf32>
      %mul3A_78 = arith.mulf %get3A_76, %get3A_76 : vector<1024x1xf32>
      %sub3A_79 = vector.broadcast %mul3A_78 : vector<1024x1xf32> to vector<1024x1024xf32>
      %sub3A_80 = arith.subf %mul3A_77, %sub3A_79 : vector<1024x1024xf32>
      %jit3A_81 = arith.constant 0.000000e+00 : f32
      %broadcast_in_dim3A_82 = vector.broadcast %jit3A_81 : f32 to vector<1024x1024xf32>
      %select_n3A_83 = arith.select %lt3A_58, %sub3A_80, %broadcast_in_dim3A_82 : vector<1024x1024xi1>, vector<1024x1024xf32>
      %get3A_84 = arith.constant 0 : index
      %get3A_85 = arith.constant 0 : index
      %get3A_86 = vector.load %arg5[%get3A_84, %get3A_85] : memref<1x1024xf32, #tpu.memory_space<vmem>>, vector<1x1024xf32>
      %reduce_max3A_87 = arith.constant dense<0xFF800000> : vector<1024xf32>
      %reduce_max3A_88 = vector.multi_reduction <maximumf>, %select_n3A_83, %reduce_max3A_87 [0] : vector<1024x1024xf32> to vector<1024xf32>
      %broadcast_in_dim3A_89 = vector.shape_cast %reduce_max3A_88 : vector<1024xf32> to vector<1x1024xf32>
      %max3A_90 = arith.maximumf %get3A_86, %broadcast_in_dim3A_89 : vector<1x1024xf32>
      %get3A_91 = arith.constant 4 : index
      %get3A_92 = arith.constant 0 : index
      %get3A_93 = vector.load %arg4[%get3A_91, %get3A_92] : memref<8x1024xf32, #tpu.memory_space<vmem>>, vector<1x1024xf32>
      %mul3A_94 = arith.constant -2.000000e+00 : f32
      %mul3A_95 = vector.broadcast %mul3A_94 : f32 to vector<1x1024xf32>
      %mul3A_96 = arith.mulf %max3A_90, %mul3A_95 : vector<1x1024xf32>
      %exp3A = math.exp %mul3A_96 : vector<1x1024xf32>
      %mul3A_97 = arith.mulf %get3A_93, %exp3A : vector<1x1024xf32>
      %ge3A = arith.constant 5.000000e-02 : f32
      %ge3A_98 = vector.broadcast %ge3A : f32 to vector<1x1024xf32>
      %ge3A_99 = arith.cmpf oge, %mul3A_97, %ge3A_98 : vector<1x1024xf32>
      %jit3A_100 = arith.constant 0.000000e+00 : f32
      %broadcast_in_dim3A_101 = vector.broadcast %jit3A_100 : f32 to vector<1x1024xf32>
      %select_n3A_102 = arith.select %ge3A_99, %mul3A_97, %broadcast_in_dim3A_101 : vector<1x1024xi1>, vector<1x1024xf32>
      %swap3A_103 = arith.constant 0 : index
      %swap3A_104 = arith.constant 0 : index
      %swap3A_105 = vector.load %arg5[%swap3A_103, %swap3A_104] : memref<1x1024xf32, #tpu.memory_space<vmem>>, vector<1x1024xf32>
      tpu.vector_store %arg5[%swap3A_103, %swap3A_104], %select_n3A_102 {strides = array<i32>} : memref<1x1024xf32, #tpu.memory_space<vmem>>, vector<1x1024xf32>,
    } else {
    }
    return
  }
  func.func @transform_0(%arg0: i32, %arg1: memref<15xi32, #tpu.memory_space<smem>>, %arg2: memref<15xi32, #tpu.memory_space<smem>>) -> (i32, i32) {
    %get3A = arith.index_cast %arg0 : i32 to index
    %get3A_0 = memref.load %arg1[%get3A] : memref<15xi32, #tpu.memory_space<smem>>
    %c0_i32 = arith.constant 0 : i32
    %c0_i32_1 = arith.constant 0 : i32
    return %get3A_0, %c0_i32 : i32, i32
  }
  func.func @transform_1(%arg0: i32, %arg1: memref<15xi32, #tpu.memory_space<smem>>, %arg2: memref<15xi32, #tpu.memory_space<smem>>) -> (i32, i32) {
    %get3A = arith.index_cast %arg0 : i32 to index
    %get3A_0 = memref.load %arg2[%get3A] : memref<15xi32, #tpu.memory_space<smem>>
    %c0_i32 = arith.constant 0 : i32
    %c0_i32_1 = arith.constant 0 : i32
    return %c0_i32, %get3A_0 : i32, i32
  }
  func.func @transform_2(%arg0: i32, %arg1: memref<15xi32, #tpu.memory_space<smem>>, %arg2: memref<15xi32, #tpu.memory_space<smem>>) -> (i32, i32) {
    %get3A = arith.index_cast %arg0 : i32 to index
    %get3A_0 = memref.load %arg2[%get3A] : memref<15xi32, #tpu.memory_space<smem>>
    %c0_i32 = arith.constant 0 : i32
    %c0_i32_1 = arith.constant 0 : i32
    return %c0_i32, %get3A_0 : i32, i32
  }
}

</mosaic_0001>

<sc_bundles>
// kernel: kernel.7.cloned.1.call-start
scs
__scs_entry_jumppad:
0x0: {  	(pc) =	sbr.rel $0x88, $3  }
0x1: {  	(tag) =	ssettag $0x0;
	lr =	simm.s32 $0x1  }
0x2: {  	[smem:$0x3F9F] =	sst lr;
	_ =	strace $0xD0000000  }
0x3: {  	_ = 	snop  }
0x4: {  	_ = 	snop  }
0x5: {  	_ = 	snop  }
0x6: {  	_ = 	snop  }
0x7: {  	_ = 	snop  }
__scs_overlays_trampoline_lowered:
0x8: {  	[smem:$0x3FAE] =	sst s0  }
0x9: {  	[smem:$0x3FAF] =	sst s1  }
0xa: {  	[smem:$0x3FB0] =	sst s2  }
0xb: {  	[smem:$0x3FB1] =	sst s3  }
0xc: {  	[smem:$0x3FB2] =	sst s4  }
0xd: {  	[smem:$0x3FB3] =	sst s5  }
0xe: {  	[smem:$0x3FB4] =	sst s6  }
0xf: {  	[smem:$0x3FB5] =	sst s7  }
0x10: {  	[smem:$0x3FB6] =	sst s8  }
0x11: {  	[smem:$0x3FB7] =	sst s9;
	s0 =	simm.s32 @!p0 $0x0  }
0x12: {  	s1 =	sld [smem:$0x3F9D];
	s0 =	simm.s32 @p0 $0x1  }
0x13: {  	[smem:$0x3FB8] =	sst s0;
	s0 =	simm.s32 @!p1 $0x0  }
0x14: {  	s2 =	sld [smem:$0x3F9C];
	s0 =	simm.s32 @p1 $0x1  }
0x15: {  	[smem:$0x3FB9] =	sst s0;
	s0 =	simm.s32 @!p2 $0x0  }
0x16: {  	s3 =	sld [smem:$0x3FDB];
	s0 =	simm.s32 @p2 $0x1  }
0x17: {  	s4 =	simm.s32 $0x1BF5;
	[smem:$0x3FBB] =	sst s0  }
0x18: {  	s0 =	sld [smem:$0x3F9E];
	_ =	swait.ge [sflag:s4], $0x0  }
0x19: {  	s7 =	sld [smem:$0x3F9F]  }
0x1a: {  	s8 =	sadd.s32 $0xFFFFE003, lr  }
0x1b: {  	s9 =	sadd.s32 $0xFFFFFEF7, lr;
	s5 =	simm.s32 $0xFFFFFFFF;
	p2 =	slt.u32 s8, $0xFFFFF086  }
0x1c: {  	p1 =	slt.u32 s9, $0xF7A;
	s5 =	simm.s32 @!p2 $0x0  }
0x1d: {  	s5 =	simm.s32 @p1 $0x1;
	p0 =	seq.s32 s7, s2  }
0x1e: {  	s7 =	smul.u32 @!p0 $0xF7A, s2;
	p2 =	seq.s32 @!p0 s5, $0x0  }
0x1f: {  	s9 =	smul.u32 $0xF7A, s1;
	s8 =	simm.s32 @!p0 $0x1BF5;
	p2 =	por !p2, p0  }
0x20: {  	[sflag:s8] =	ssyncset.s32 @!p0 $0xFFFFF086;
	s6 =	sadd.s32 @!p0 s3, s7;
	s7 =	simm.s32 @!p0 $0x108  }
0x21: {  	s3 =	sadd.s32 s3, s9;
	s6 =	sadd.s32 @!p0 $0x88, s6;
	s7 =	simm.s32 @p2 $0x1082  }
0x22: {  	[simem:s7], [sflag:s8] =	dma.local @!p0 [hbm:s6], $0xF7A  }
0x23: {  	s9 =	sor.u32 $0xD0000000, s2;
	s6 =	simm.s32 $0x108;
	_ =	swait.ge @!p0 [sflag:s8], $0x0  }
0x24: {  	s3 =	sadd.s32 $0x88, s3;
	s6 =	simm.s32 @!p1 $0x1082;
	[sflag:s4] =	ssyncset.s32 $0xFFFFF086  }
0x25: {  	[simem:s6], [sflag:s4] =	dma.local [hbm:s3], $0xF7A  }
0x26: {  	[smem:$0x3F9F] =	sst s1;
	(tag) =	ssettag s2;
	_ =	strace s9  }
0x27: {  	s1 =	sld [smem:$0x3FAF]  }
0x28: {  	s2 =	sld [smem:$0x3FB0]  }
0x29: {  	s4 =	sld [smem:$0x3FB2]  }
0x2a: {  	p0 =	seq.s32 s5, $0x0;
	s5 =	sld [smem:$0x3FB3]  }
0x2b: {  	s6 =	sld [smem:$0x3FB4]  }
0x2c: {  	s7 =	sld [smem:$0x3FB5]  }
0x2d: {  	s3 =	simm.s32 $0x108;
	s8 =	sld [smem:$0x3FB6]  }
0x2e: {  	s3 =	simm.s32 @!p0 $0x1082;
	s9 =	sld [smem:$0x3FB7]  }
0x2f: {  	lr =	sadd.s32 s0, s3;
	s0 =	sld [smem:$0x3FAE]  }
0x30: {  	s3 =	sld [smem:$0x3FB1]  }
0x31: {  	[smem:$0x3FBA] =	sst s10  }
0x32: {  	s10 =	sld [smem:$0x3FB8];
	_ =	sdelay $0x3  }
0x33: {  	p0 =	seq.s32 s10, $0x1;
	s10 =	sld [smem:$0x3FBA];
	_ =	sdelay $0x3  }
0x34: {  	[smem:$0x3FBA] =	sst s10  }
0x35: {  	s10 =	sld [smem:$0x3FB9];
	_ =	sdelay $0x3  }
0x36: {  	p1 =	seq.s32 s10, $0x1;
	s10 =	sld [smem:$0x3FBA];
	_ =	sdelay $0x3  }
0x37: {  	[smem:$0x3FBA] =	sst s10  }
0x38: {  	s10 =	sld [smem:$0x3FBB]  }
0x39: {  	_ = 	snop;
	(pc) =	sbr.ind lr, $3  }
0x3a: {  	_ = 	snop  }
0x3b: {  	_ = 	snop  }
0x3c: {  	p2 =	seq.s32 s10, $0x1;
	s10 =	sld [smem:$0x3FBA]  }
0x3d: {  	_ =	shalt  }
0x3e: {  	_ =	shalt  }
0x3f: {  	_ =	shalt  }
0x40: {  	_ =	shalt  }
0x41: {  	_ =	shalt  }
0x42: {  	_ =	shalt  }
0x43: {  	_ =	shalt  }
0x44: {  	_ =	shalt  }
0x45: {  	_ =	shalt  }
0x46: {  	_ =	shalt  }
0x47: {  	_ =	shalt  }
0x48: {  	_ =	shalt  }
0x49: {  	_ =	shalt  }
0x4a: {  	_ =	shalt  }
0x4b: {  	_ =	shalt  }
0x4c: {  	_ =	shalt  }
0x4d: {  	_ =	shalt  }
0x4e: {  	_ =	shalt  }
0x4f: {  	_ =	shalt  }
0x50: {  	_ =	shalt  }
0x51: {  	_ =	shalt  }
0x52: {  	_ =	shalt  }
0x53: {  	_ =	shalt  }
0x54: {  	_ =	shalt  }
0x55: {  	_ =	shalt  }
0x56: {  	_ =	shalt  }
0x57: {  	_ =	shalt  }
0x58: {  	_ =	shalt  }
0x59: {  	_ =	shalt  }
0x5a: {  	_ =	shalt  }
0x5b: {  	_ =	shalt  }
0x5c: {  	_ =	shalt  }
0x5d: {  	_ =	shalt  }
0x5e: {  	_ =	shalt  }
0x5f: {  	_ =	shalt  }
0x60: {  	_ =	shalt  }
0x61: {  	_ =	shalt  }
0x62: {  	_ =	shalt  }
0x63: {  	_ =	shalt  }
0x64: {  	_ =	shalt  }
0x65: {  	_ =	shalt  }
0x66: {  	_ =	shalt  }
0x67: {  	_ =	shalt  }
0x68: {  	_ =	shalt  }
0x69: {  	_ =	shalt  }
0x6a: {  	_ =	shalt  }
0x6b: {  	_ =	shalt  }
0x6c: {  	_ =	shalt  }
0x6d: {  	_ =	shalt  }
0x6e: {  	_ =	shalt  }
0x6f: {  	_ =	shalt  }
0x70: {  	_ =	shalt  }
0x71: {  	_ =	shalt  }
0x72: {  	_ =	shalt  }
0x73: {  	_ =	shalt  }
0x74: {  	_ =	shalt  }
0x75: {  	_ =	shalt  }
0x76: {  	_ =	shalt  }
0x77: {  	_ =	shalt  }
0x78: {  	_ =	shalt  }
0x79: {  	_ =	shalt  }
0x7a: {  	_ =	shalt  }
0x7b: {  	_ =	shalt  }
0x7c: {  	_ =	shalt  }
0x7d: {  	_ =	shalt  }
0x7e: {  	_ =	shalt  }
0x7f: {  	_ =	shalt  }
0x80: {  	_ =	shalt  }
0x81: {  	_ =	shalt  }
0x82: {  	_ =	shalt  }
0x83: {  	_ =	shalt  }
0x84: {  	_ =	shalt  }
0x85: {  	_ =	shalt  }
0x86: {  	_ =	shalt  }
0x87: {  	_ =	shalt  }
.Lfunc_end0:
.L_simem_size_0:
called_computation_lowered:
.L_overlay_start_0:
0x88: {  	s2 =	sld [smem:$0x3FD9]  }
0x89: {  	s3 =	sld [smem:$0x3FFE];
	_ =	sdelay $0x1  }
0x8a: {  	s1 =	srdreg.scid  }
0x8b: {  	s0 =	sand.u32 $0x1, s1  }
0x8c: {  	s17 =	sshll.u32 s0, $0xA;
	s2 =	sadd.s32 s3, s2  }
0x8d: {  	s2 =	sadd.s32 s2, s17  }
0x8e: {  	[smem:$0x3FC6] =	sst s2  }
0x8f: {  	_ = 	snop  }
0x90: {  	s2 =	sld [smem:$0x3FD0];
	(tm) =	ssettm $0x1  }
0x91: {  	s18 =	sld [smem:$0x3FFB];
	_ =	sdelay $0x3  }
0x92: {  	_ =	strace s18  }
0x93: {  	s3 =	sld [smem:$0x3FFC];
	_ =	sdelay $0x3  }
0x94: {  	_ =	strace s3  }
0x95: {  	s3 =	sld [smem:$0x3FFD];
	_ =	sdelay $0x3  }
0x96: {  	_ =	strace s3  }
0x97: {  	_ =	strace $0x8FFFFFFF  }
0x98: {  	s19 =	sld [smem:$0x3FDB];
	_ =	sdelay $0x1  }
0x99: {  	s4 =	simm.s32 $_scs_section_size  }
0x9a: {  	s5 =	simm.s32 $_size__tile_overlayer_lowered;
	s6 =	simm.s32 $_tile_overlayer_lowered  }
0x9b: {  	s22 =	simm.s32 $0x1BFF;
	s21 =	sshll.u32 s6, $0x1;
	s3 =	sadd.s32 s4, s19  }
0x9c: {  	s7 =	simm.s32 $0x0;
	s20 =	sshll.u32 s5, $0x1;
	s5 =	sadd.s32 s21, s3  }
0x9d: {  	[timem:s7], [sflag:s22] =	dma.local [hbm:s5], s20  }
0x9e: {  	_ =	swait.ge [sflag:s22], s20  }
0x9f: {  	s4 =	ssub.s32 $0x0, s20;
	[sflag:s22] =	ssyncset.done $0x0  }
0xa0: {  	[sflag:s22] =	ssyncadd.s32 s4;
	_ =	sdelay $0x1  }
0xa1: {  	s23 =	simm.s32 $0x1B8B  }
0xa2: {  	_ =	swait.ge [sflag:s23], $0x1  }
0xa3: {  	[sflag:s23] =	ssyncset.done $0x0  }
0xa4: {  	s25 =	simm.s32 $0x1B8E;
	s24 =	sld [smem:$0x3FFE];
	[sflag:s23] =	ssyncadd.s32 $0xFFFFFFFF  }
0xa5: {  	s26 =	simm.s32 $execute0_lowered;
	[smem:$0x3FD2] =	sst s25  }
0xa6: {  	s5 =	sshll.u32 s26, $0x1;
	_ =	strace $0x80000046;
	[dreg:$0x1] =	wrdreg $0xFFFFFFFF  }
0xa7: {  	s28 =	simm.s32 $_size_execute0_lowered;
	s3 =	sadd.s32 s3, s5;
	[dreg:$0x0] =	wrdreg $0x0  }
0xa8: {  	s5 =	sshll.u32 s28, $0x1;
	[dreg:$0x2] =	wrdreg s3  }
0xa9: {  	[dreg:$0x3] =	wrdreg s5  }
0xaa: {  	[dreg:$0x4] =	wrdreg $0xC0  }
0xab: {  	_ =	task [dreg:s7], $0x5FFFF  }
0xac: {  	[dreg:$0x1] =	wrdreg $0xFFFFFFFF  }
0xad: {  	[dreg:$0x0] =	wrdreg $0x60  }
0xae: {  	[dreg:$0x2] =	wrdreg s2  }
0xaf: {  	[dreg:$0x3] =	wrdreg s24  }
0xb0: {  	[dreg:$0x4] =	wrdreg $0x9  }
0xb1: {  	_ =	task.clear_ibuf [dreg:s7], $0x5FFFF;
	_ =	strace $0x90000046  }
0xb2: {  	s29 =	simm.s32 $0x9;
	_ =	strace $0x80000048  }
0xb3: {  	_ =	swait.ge [sflag:s29], $0x1  }
0xb4: {  	[sflag:s29] =	ssyncadd.s32 $0xFFFFFFFF  }
0xb5: {  	_ =	strace $0x90000048  }
0xb6: {  	_ =	sfence  }
0xb7: {  	s30 =	sld [smem:$0x0];
	_ =	sdelay $0x2  }
0xb8: {  	s31 =	sshll.u32 s1, $0xD;
	s1 =	sshrl.u32 s1, $0x2  }
0xb9: {  	s3 =	sand.u32 $0x4000, s31;
	s1 =	sadd.s32 s1, s30  }
0xba: {  	s0 =	sor.u32 s3, s0;
	s1 =	sshll.u32 s1, $0x11  }
0xbb: {  	s0 =	sor.u32 s1, s0  }
0xbc: {  	s0 =	sadd.s32 $0x8F2B, s0  }
0xbd: {  	[sflag:s0] =	ssyncadd.remote.s32 $0x1  }
0xbe: {  	_ =	sfence.sel $0xFFFF  }
0xbf: {  	[dreg:$0x0] =	wrdreg $0xFFFFFFFF;
	(pc) =	sbr.abs _section_cstart, $3  }
0xc0: {  	[dreg:$0x1] =	wrdreg $0xFFFFFFFF  }
0xc1: {  	_ =	task.clear_ibuf [dreg:s7], $0x2FFFF;
	_ =	strace $0x9FFFFFFF  }
0xc2: {  	(tm) =	ssettm $0x7FFFFFFF  }
0xc3: {  	_ =	shalt  }
tec
execute0_lowered:
.L_overlay_start_1:
0x0: {  	(tag) =	ssettag $0x1  }
0x1: {  	s1 =	srdreg.scid  }
0x2: {  	s0 =	stileid.u32;
	s9 =	sand.u32 $0x1, s1  }
0x3: {  	s31 =	sshll.u32 s0, $0x2;
	s2 =	sshll.u32 s9, $0x1  }
0x4: {  	s3 =	rddreg [dreg:$0x0];
	s4 =	sor.u32 s2, s31  }
0x5: {  	s7 =	rddreg [dreg:$0x1];
	s5 =	smul.u32 $0x50, s4  }
0x6: {  	s1 =	rddreg [dreg:$0x2];
	s2 =	simm.s32 $0x0;
	s4 =	smul.u32 $0xA, s4  }
0x7: {  	[smem:$0x7FF] =	sst s2  }
0x8: {  	_ =	strace $0x80000047;
	s5 =	sadd.s32 s5, s7;
	s3 =	sadd.s32 s3, s4  }
0x9: {  	[tilespmem:s2], [sflag:$0x1] =	stream.linear.gather [hbm4b:s3+s2], $0xA0, $0x38;
	[tilespmem:$0x5A0] =	vst v63  }
0xa: {  	s6 =	simm.s32 $0xA0;
	s4 =	sadd.s32 $0x800, s5;
	s5 =	simm.s32 $0x1  }
0xb: {  	[tilespmem:s6], [sflag:$0x1] =	stream.linear.gather [hbm4b:s4+s2], $0x500, $0x38;
	[tilespmem:$0x5A0] =	vst v63  }
0xc: {  	_ =	swait.ge [sflag:s5], $0xA0  }
0xd: {  	[sflag:s5] =	ssyncset.done $0x0  }
0xe: {  	s10 =	ssub.s32 $0x2, s9;
	[sflag:s5] =	ssyncadd.s32 $0xFFFFFF60  }
0xf: {  	s11 =	sshrl.u32 s10, $0x1;
	_ =	swait.ge [sflag:s5], $0x500  }
0x10: {  	s8 =	simm.s32 $0x50;
	s10 =	ssub.s32 s10, s11;
	[sflag:s5] =	ssyncset.done $0x0  }
0x11: {  	s10 =	smax.u32 s10, $0x1;
	s7 =	sadd.s32 $0x1C00, s7;
	[sflag:s5] =	ssyncadd.s32 $0xFFFFFB00  }
0x12: {  	[hbm4b:s7+s8] =	stream.indirect.scatter [tilespmem:s6], [sflag:$0x1], $0x8, s2, s8, $0xb8;
	[tilespmem:$0x5A0] =	vst v63  }
0x13: {  	s9 =	simm.s32 $0x320;
	p0 =	sne.s32 s10, $0x1  }
0x14: {  	[hbm4b:s7+s8] =	stream.indirect.scatter [tilespmem:s9], [sflag:$0x1], $0x8, s8, s8, $0xb8;
	[tilespmem:$0x5A0] =	vst v63  }
.Ltmp0:
0x15: {  	_ =	swait.ge [sflag:s5], $0x280;
	(pc) =	sbr.rel @!p0 .LBB2_2-.Ltmp0, $4  }
0x16: {  	[sflag:s5] =	ssyncset.done $0x0  }
0x17: {  	[sflag:s5] =	ssyncadd.s32 $0xFFFFFD80  }
0x18: {  	_ =	swait.ge [sflag:s5], $0x280  }
0x19: {  	s10 =	sadd.s32 $0xFFFFFFFF, s10;
	[sflag:s5] =	ssyncset.done $0x0  }
.LBB2_1:
0x1a: {  	p0 =	sne.s32 s10, $0x1;
	s10 =	sadd.s32 $0xFFFFFFFF, s10;
	[sflag:s5] =	ssyncadd.s32 $0xFFFFFD80  }
0x1b: {  	[tilespmem:s2], [sflag:$0x1] =	stream.linear.gather [hbm4b:s3+s2], $0xA0, $0x38;
	[tilespmem:$0x5A0] =	vst v63  }
0x1c: {  	_ = 	snop  }
0x1d: {  	[tilespmem:s6], [sflag:$0x1] =	stream.linear.gather [hbm4b:s4+s2], $0x500, $0x38;
	[tilespmem:$0x5A0] =	vst v63  }
0x1e: {  	_ =	swait.ge [sflag:s5], $0xA0  }
0x1f: {  	[sflag:s5] =	ssyncset.done $0x0  }
0x20: {  	[sflag:s5] =	ssyncadd.s32 $0xFFFFFF60  }
0x21: {  	_ =	swait.ge [sflag:s5], $0x500  }
0x22: {  	[sflag:s5] =	ssyncset.done $0x0  }
0x23: {  	[sflag:s5] =	ssyncadd.s32 $0xFFFFFB00  }
0x24: {  	[hbm4b:s7+s8] =	stream.indirect.scatter [tilespmem:s6], [sflag:$0x1], $0x8, s2, s8, $0xb8;
	[tilespmem:$0x5A0] =	vst v63  }
0x25: {  	_ = 	snop  }
0x26: {  	[hbm4b:s7+s8] =	stream.indirect.scatter [tilespmem:s9], [sflag:$0x1], $0x8, s8, s8, $0xb8;
	[tilespmem:$0x5A0] =	vst v63  }
.Ltmp1:
0x27: {  	_ =	swait.ge [sflag:s5], $0x280;
	(pc) =	sbr.rel @p0 .LBB2_1-.Ltmp1, $4  }
0x28: {  	[sflag:s5] =	ssyncset.done $0x0  }
0x29: {  	[sflag:s5] =	ssyncadd.s32 $0xFFFFFD80  }
0x2a: {  	_ =	swait.ge [sflag:s5], $0x280  }
0x2b: {  	[sflag:s5] =	ssyncset.done $0x0  }
.LBB2_2:
0x2c: {  	[sflag:s5] =	ssyncadd.s32 $0xFFFFFD80  }
0x2d: {  	_ =	sfence.sel $0x180000  }
0x2e: {  	[bflag:$0x0] =	sbarrier.arrive $0xFFFF  }
0x2f: {  	p0 =	sne.s32 s0, $0x0;
	_ =	strace $0x90000047  }
0x30: {  	s0 =	sadd.s32 @!p0 $0x100000, s1;
	[bflag:$0x2] =	sbarrier.arrive $0xFFFF  }
0x31: {  	[sflag:s0] =	ssyncadd.tile.s32 @!p0 $0x1;
	_ =	shalt  }
.Lfunc_end2:
_tile_overlayer_lowered:
.L_overlay_start_2:
0x32: {  	(tag) =	ssettag $0x2  }
0x33: {  	s0 =	rddreg [dreg:$0x0];
	s2 =	stileid.u32  }
0x34: {  	s1 =	rddreg [dreg:$0x1];
	p0 =	sne.s32 s2, $0x0  }
0x35: {  	s3 =	rddreg [dreg:$0x2];
	[bflag:$0x3] =	sbarrier.arrive $0xFFFF;
	s2 =	simm.s32 @!p0 $0x1C02  }
0x36: {  	[timem:s3], [sflag:s2] =	dma.local @!p0 [hbm:s0], s1  }
0x37: {  	s0 =	simm.s32 @!p0 $0x2  }
0x38: {  	_ =	swait.ge @!p0 [sflag:s0], s1  }
0x39: {  	s1 =	ssub.s32 @!p0 $0x0, s1;
	[sflag:s0] =	ssyncset.done @!p0 $0x0  }
0x3a: {  	[sflag:s0] =	ssyncadd.s32 @!p0 s1  }
0x3b: {  	[bflag:$0x3] =	sbarrier.arrive $0xFFFF  }
0x3c: {  	_ =	shalt  }

</sc_bundles>
